<compile_context>
chip_gen: v7x
topology: tpu7x:2x2x1
jax: 0.10.2.dev20260603
libtpu: 0.0.44.dev20260713+nightly
codegen_flags: <defaults>
</compile_context>

<pallas_src>
import functools

import jax
import jax.numpy as jnp
from jax import lax
from jax.experimental import pallas as pl
from jax.experimental.pallas import tpu as pltpu
from jax.experimental.pallas import tpu_sc as plsc

NUM_GRAPHS = 64
E_ROWS = 320000
N_ROWS = 10000
E_FEATS = 16
X_FEATS = 128
OUT_FEATS = 128

NC = 2
NS = 16
NW = NC * NS

N_CH = 80
N_NCH = N_ROWS // N_CH
N_ITERS = (N_NCH + NW - 1) // NW

E_GRID = 25
E_BLK = E_ROWS // E_GRID



def _sc_body(x_hbm, nids_hbm, px_hbm, nbuf, nids, zbuf, nacc_sp):
    cid = lax.axis_index("c")
    sid = lax.axis_index("s")
    wid = sid * NC + cid

    zero16 = jnp.zeros((16,), jnp.float32)

    def _zrow(g, _):
        for k in range(X_FEATS // 16):
            zbuf[g, pl.ds(k * 16, 16)] = zero16
        return 0

    lax.fori_loop(0, NUM_GRAPHS, _zrow, 0)
    pltpu.sync_copy(zbuf, nacc_sp.at[sid])

    def _nchunk(it, _):
        c = wid + it * NW

        @pl.when(c < N_NCH)
        def _do():
            pltpu.sync_copy(x_hbm.at[pl.ds(c * N_CH, N_CH)], nbuf)
            pltpu.sync_copy(nids_hbm.at[pl.ds(c, 1)], nids)
            pltpu.sync_copy(nbuf, nacc_sp.at[sid].at[nids.at[0]], add=True)

        return 0

    lax.fori_loop(0, N_ITERS, _nchunk, 0)

    pltpu.sync_copy(nacc_sp.at[sid], px_hbm.at[wid])


_sc_nodes = pl.kernel(
    _sc_body,
    out_type=jax.ShapeDtypeStruct((NW, NUM_GRAPHS, X_FEATS), jnp.float32),
    mesh=plsc.VectorSubcoreMesh(core_axis_name="c", subcore_axis_name="s"),
    scratch_types=[
        pltpu.VMEM((N_CH, X_FEATS), jnp.float32),
        pltpu.VMEM((1, N_CH), jnp.int32),
        pltpu.VMEM((NUM_GRAPHS, X_FEATS), jnp.float32),
        pltpu.VMEM_SHARED((NS, NUM_GRAPHS, X_FEATS), jnp.float32),
    ],
    compiler_params=pltpu.CompilerParams(use_tc_tiling_on_sc=False),
)



def _edges_body(eids_ref, et_ref, acc_ref, acc):
    step = pl.program_id(0)

    @pl.when(step == 0)
    def _init():
        acc[...] = jnp.zeros_like(acc)

    gids = lax.broadcasted_iota(jnp.int32, (NUM_GRAPHS, E_BLK), 0)
    onehot = (eids_ref[0, 0, :][None, :] == gids).astype(jnp.bfloat16)
    etr = jnp.transpose(et_ref[...].astype(jnp.bfloat16), (1, 0))
    acc[...] += jax.lax.dot(onehot, etr,
                            preferred_element_type=jnp.float32)

    @pl.when(step == E_GRID - 1)
    def _done():
        acc_ref[...] = acc[...]


def _tc_edges(et, eids3):
    return pl.pallas_call(
        _edges_body,
        grid=(E_GRID,),
        in_specs=[
            pl.BlockSpec((1, 1, E_BLK), lambda i: (i, 0, 0)),
            pl.BlockSpec((E_FEATS, E_BLK), lambda i: (0, i)),
        ],
        out_specs=pl.BlockSpec((NUM_GRAPHS, E_FEATS), lambda i: (0, 0)),
        out_shape=jax.ShapeDtypeStruct((NUM_GRAPHS, E_FEATS), jnp.float32),
        scratch_shapes=[pltpu.VMEM((NUM_GRAPHS, E_FEATS), jnp.float32)],
        compiler_params=pltpu.CompilerParams(
            dimension_semantics=("arbitrary",),
        ),
    )(eids3, et)



def _lin_body(aet_ref, px_ref, g_ref, w_ref, b_ref, out_ref):
    agg_x = jnp.sum(px_ref[...], axis=0)
    w = w_ref[...]
    out = jax.lax.dot(aet_ref[...], w[0:E_FEATS, :],
                      preferred_element_type=jnp.float32)
    out += jax.lax.dot(agg_x, w[E_FEATS:E_FEATS + X_FEATS, :],
                       preferred_element_type=jnp.float32)
    out += jax.lax.dot(g_ref[...], w[E_FEATS + X_FEATS:, :],
                       preferred_element_type=jnp.float32)
    out_ref[...] = out + b_ref[0, :][None, :]


def _linear(agg_et, px, global_attr, W, b2):
    return pl.pallas_call(
        _lin_body,
        out_shape=jax.ShapeDtypeStruct((NUM_GRAPHS, OUT_FEATS), jnp.float32),
    )(agg_et, px, global_attr, W, b2)


@jax.jit
def _global_block(x, e, global_attr, node_ids, edge_ids, W, b):
    et = e.T
    eids3 = edge_ids.astype(jnp.int32).reshape(E_GRID, 1, E_BLK)
    nids2 = node_ids.astype(jnp.int32).reshape(N_NCH, N_CH)
    px = _sc_nodes(x, nids2)
    agg_et = _tc_edges(et, eids3)
    return _linear(agg_et, px, global_attr, W, b.reshape(1, OUT_FEATS))


def kernel(x, e, global_attr, node_graph_ids, edge_graph_ids, W, b):
    return _global_block(x, e, global_attr, node_graph_ids, edge_graph_ids,
                         W, b)

# --- scband reference (transcript-rebuilt; emitter-appended) ---
"""Pipeline reference for scband-global-block-31885837206098 (READ-ONLY COPY).

The authoritative reference and input builder live on the scoring server;
editing this copy changes nothing except your own understanding.
"""

import jax, jax.numpy as jnp
import numpy as np

NUM_GRAPHS = 64
IN_FEATS = 272
OUT_FEATS = 128

def setup_inputs(seed: int = 0) -> dict:
    key = jax.random.key(seed)
    k1, k2, k3, k4, k5, k6, k7 = jax.random.split(key, 7)
    x = jax.random.normal(k1, (10000, 128), dtype=jnp.float32)
    e = jax.random.normal(k2, (320000, 16), dtype=jnp.float32)
    global_attr = jax.random.normal(k3, (NUM_GRAPHS, 128), dtype=jnp.float32)
    node_graph_ids = jnp.sort(jax.random.randint(k4, (10000,), 0, NUM_GRAPHS, dtype=jnp.int64))
    edge_graph_ids = jnp.sort(jax.random.randint(k5, (320000,), 0, NUM_GRAPHS, dtype=jnp.int64))
    # Linear(in_feats=272, out_feats=128) params (PyTorch default init: U(-1/sqrt(fan_in), 1/sqrt(fan_in)))
    bound = 1.0 / np.sqrt(IN_FEATS)
    W = jax.random.uniform(k6, (IN_FEATS, OUT_FEATS), dtype=jnp.float32, minval=-bound, maxval=bound)
    b = jax.random.uniform(k7, (OUT_FEATS,), dtype=jnp.float32, minval=-bound, maxval=bound)
    return {"x": x, "e": e, "global_attr": global_attr,
            "node_graph_ids": node_graph_ids, "edge_graph_ids": edge_graph_ids,
            "W": W, "b": b}

def reference(x, e, global_attr, node_graph_ids, edge_graph_ids, W, b):
    # dgl.sum_edges(graph, 'e'): per-graph sum of edge features -> [B, d_edge]
    agg_edge_attr = jax.ops.segment_sum(e, edge_graph_ids, num_segments=NUM_GRAPHS)
    # dgl.sum_nodes(graph, 'x'): per-graph sum of node features -> [B, d_feat]
    agg_node_attr = jax.ops.segment_sum(x, node_graph_ids, num_segments=NUM_GRAPHS)
    # concat [agg_edge, agg_node, global_attr] -> Linear
    h = jnp.concatenate([agg_edge_attr, agg_node_attr, global_attr], axis=-1)
    return h @ W + b

if __name__ == "__main__":
    import jax
    _d = setup_inputs()
    print(jax.jit(kernel)(*tuple(_d.values())))

</pallas_src>

<mosaic_0001>
#map = affine_map<(d0, d1) -> (0, 0)>
#map1 = affine_map<(d0, d1) -> (0, 0, 0)>
module attributes {stable_mosaic.version = 14 : i64} {
  func.func @_sc_body(%arg0: i32, %arg1: i32, %arg2: memref<10000x128xf32, #tpu.memory_space<hbm>>, %arg3: memref<125x80xi32, #tpu.memory_space<hbm>>, %arg4: memref<32x64x128xf32, #tpu.memory_space<hbm>>, %arg5: memref<80x128xf32, #tpu.memory_space<vmem>>, %arg6: memref<1x80xi32, #tpu.memory_space<vmem>>, %arg7: memref<64x128xf32, #tpu.memory_space<vmem>>, %arg8: memref<16x64x128xf32, #tpu.memory_space<vmem_shared>>) attributes {dimension_semantics = [#tpu.dimension_semantics<core_parallel>, #tpu.dimension_semantics<subcore_parallel>], iteration_bounds = array<i64: 2, 16>, scalar_prefetch = 0 : i64, scratch_operands = 4 : i64, tpu.core_type = #tpu.core_type<sc_vector_subcore>, window_params = [{transform_indices = #map}, {transform_indices = #map}, {transform_indices = #map1}]} {
    %mul3A = arith.constant 2 : i32
    %mul3A_0 = arith.muli %arg1, %mul3A : i32
    %add3A = arith.addi %mul3A_0, %arg0 : i32
    %broadcast_in_dim3A = arith.constant 0.000000e+00 : f32
    %broadcast_in_dim3A_1 = vector.broadcast %broadcast_in_dim3A : f32 to vector<16xf32>
    %scan3A = arith.constant 0 : i32
    %scan3A_2 = arith.constant 0 : i32
    %scan3A_3 = arith.constant 64 : i32
    %scan3A_4 = arith.addi %scan3A_2, %scan3A_3 : i32
    %scan3A_5 = arith.constant 1 : i32
    %scan3A_6 = scf.for %scan3A_15 = %scan3A_2 to %scan3A_4 step %scan3A_5 iter_args(%scan3A_16 = %scan3A) -> (i32)  : i32 {
      %swap3A = arith.index_cast %scan3A_15 : i32 to index
      %swap3A_17 = arith.constant 0 : index
      %swap3A_18 = tpu.vector_load %arg7[%swap3A, %swap3A_17] {strides = array<i32>} : memref<64x128xf32, #tpu.memory_space<vmem>>, vector<1x16xf32>,
      %swap3A_19 = vector.shape_cast %swap3A_18 : vector<1x16xf32> to vector<16xf32>
      %swap3A_20 = vector.shape_cast %broadcast_in_dim3A_1 : vector<16xf32> to vector<1x16xf32>
      tpu.vector_store %arg7[%swap3A, %swap3A_17], %swap3A_20 {strides = array<i32>} : memref<64x128xf32, #tpu.memory_space<vmem>>, vector<1x16xf32>,
      %swap3A_21 = arith.index_cast %scan3A_15 : i32 to index
      %swap3A_22 = arith.constant 16 : index
      %swap3A_23 = tpu.vector_load %arg7[%swap3A_21, %swap3A_22] {strides = array<i32>} : memref<64x128xf32, #tpu.memory_space<vmem>>, vector<1x16xf32>,
      %swap3A_24 = vector.shape_cast %swap3A_23 : vector<1x16xf32> to vector<16xf32>
      %swap3A_25 = vector.shape_cast %broadcast_in_dim3A_1 : vector<16xf32> to vector<1x16xf32>
      tpu.vector_store %arg7[%swap3A_21, %swap3A_22], %swap3A_25 {strides = array<i32>} : memref<64x128xf32, #tpu.memory_space<vmem>>, vector<1x16xf32>,
      %swap3A_26 = arith.index_cast %scan3A_15 : i32 to index
      %swap3A_27 = arith.constant 32 : index
      %swap3A_28 = tpu.vector_load %arg7[%swap3A_26, %swap3A_27] {strides = array<i32>} : memref<64x128xf32, #tpu.memory_space<vmem>>, vector<1x16xf32>,
      %swap3A_29 = vector.shape_cast %swap3A_28 : vector<1x16xf32> to vector<16xf32>
      %swap3A_30 = vector.shape_cast %broadcast_in_dim3A_1 : vector<16xf32> to vector<1x16xf32>
      tpu.vector_store %arg7[%swap3A_26, %swap3A_27], %swap3A_30 {strides = array<i32>} : memref<64x128xf32, #tpu.memory_space<vmem>>, vector<1x16xf32>,
      %swap3A_31 = arith.index_cast %scan3A_15 : i32 to index
      %swap3A_32 = arith.constant 48 : index
      %swap3A_33 = tpu.vector_load %arg7[%swap3A_31, %swap3A_32] {strides = array<i32>} : memref<64x128xf32, #tpu.memory_space<vmem>>, vector<1x16xf32>,
      %swap3A_34 = vector.shape_cast %swap3A_33 : vector<1x16xf32> to vector<16xf32>
      %swap3A_35 = vector.shape_cast %broadcast_in_dim3A_1 : vector<16xf32> to vector<1x16xf32>
      tpu.vector_store %arg7[%swap3A_31, %swap3A_32], %swap3A_35 {strides = array<i32>} : memref<64x128xf32, #tpu.memory_space<vmem>>, vector<1x16xf32>,
      %swap3A_36 = arith.index_cast %scan3A_15 : i32 to index
      %swap3A_37 = arith.constant 64 : index
      %swap3A_38 = tpu.vector_load %arg7[%swap3A_36, %swap3A_37] {strides = array<i32>} : memref<64x128xf32, #tpu.memory_space<vmem>>, vector<1x16xf32>,
      %swap3A_39 = vector.shape_cast %swap3A_38 : vector<1x16xf32> to vector<16xf32>
      %swap3A_40 = vector.shape_cast %broadcast_in_dim3A_1 : vector<16xf32> to vector<1x16xf32>
      tpu.vector_store %arg7[%swap3A_36, %swap3A_37], %swap3A_40 {strides = array<i32>} : memref<64x128xf32, #tpu.memory_space<vmem>>, vector<1x16xf32>,
      %swap3A_41 = arith.index_cast %scan3A_15 : i32 to index
      %swap3A_42 = arith.constant 80 : index
      %swap3A_43 = tpu.vector_load %arg7[%swap3A_41, %swap3A_42] {strides = array<i32>} : memref<64x128xf32, #tpu.memory_space<vmem>>, vector<1x16xf32>,
      %swap3A_44 = vector.shape_cast %swap3A_43 : vector<1x16xf32> to vector<16xf32>
      %swap3A_45 = vector.shape_cast %broadcast_in_dim3A_1 : vector<16xf32> to vector<1x16xf32>
      tpu.vector_store %arg7[%swap3A_41, %swap3A_42], %swap3A_45 {strides = array<i32>} : memref<64x128xf32, #tpu.memory_space<vmem>>, vector<1x16xf32>,
      %swap3A_46 = arith.index_cast %scan3A_15 : i32 to index
      %swap3A_47 = arith.constant 96 : index
      %swap3A_48 = tpu.vector_load %arg7[%swap3A_46, %swap3A_47] {strides = array<i32>} : memref<64x128xf32, #tpu.memory_space<vmem>>, vector<1x16xf32>,
      %swap3A_49 = vector.shape_cast %swap3A_48 : vector<1x16xf32> to vector<16xf32>
      %swap3A_50 = vector.shape_cast %broadcast_in_dim3A_1 : vector<16xf32> to vector<1x16xf32>
      tpu.vector_store %arg7[%swap3A_46, %swap3A_47], %swap3A_50 {strides = array<i32>} : memref<64x128xf32, #tpu.memory_space<vmem>>, vector<1x16xf32>,
      %swap3A_51 = arith.index_cast %scan3A_15 : i32 to index
      %swap3A_52 = arith.constant 112 : index
      %swap3A_53 = tpu.vector_load %arg7[%swap3A_51, %swap3A_52] {strides = array<i32>} : memref<64x128xf32, #tpu.memory_space<vmem>>, vector<1x16xf32>,
      %swap3A_54 = vector.shape_cast %swap3A_53 : vector<1x16xf32> to vector<16xf32>
      %swap3A_55 = vector.shape_cast %broadcast_in_dim3A_1 : vector<16xf32> to vector<1x16xf32>
      tpu.vector_store %arg7[%swap3A_51, %swap3A_52], %swap3A_55 {strides = array<i32>} : memref<64x128xf32, #tpu.memory_space<vmem>>, vector<1x16xf32>,
      %scan3A_56 = arith.constant 0 : i32
      scf.yield %scan3A_56 : i32
    }
    %scan3A_7 = arith.constant 64 : i32
    "tpu.region"() ({
      %run_scoped3A = tpu.sem_alloc : memref<!tpu.dma_semaphore, #tpu.memory_space<semaphore_mem>>
      %dma_start3A = arith.constant 0 : i32
      %dma_start3A_15 = arith.constant 0 : i32
      %dma_start3A_16 = tpu.memref_slice %arg8[%arg1, %dma_start3A, %dma_start3A_15] : memref<16x64x128xf32, #tpu.memory_space<vmem_shared>> -> memref<1x64x128xf32, #tpu.memory_space<vmem_shared>>
      %dma_start3A_17 = tpu.memref_squeeze %dma_start3A_16 : memref<1x64x128xf32, #tpu.memory_space<vmem_shared>> -> memref<64x128xf32, #tpu.memory_space<vmem_shared>>
      %dma_start3A_18 = arith.constant 0 : i32
      %dma_start3A_19 = arith.constant 0 : i32
      %dma_start3A_20 = tpu.memref_slice %arg8[%arg1, %dma_start3A_18, %dma_start3A_19] : memref<16x64x128xf32, #tpu.memory_space<vmem_shared>> -> memref<1x64x128xf32, #tpu.memory_space<vmem_shared>>
      %dma_start3A_21 = tpu.memref_squeeze %dma_start3A_20 : memref<1x64x128xf32, #tpu.memory_space<vmem_shared>> -> memref<64x128xf32, #tpu.memory_space<vmem_shared>>
      tpu.enqueue_dma source(%arg7 : memref<64x128xf32, #tpu.memory_space<vmem>>) target(%dma_start3A_21 : memref<64x128xf32, #tpu.memory_space<vmem_shared>>) target_semaphore(%run_scoped3A : memref<!tpu.dma_semaphore, #tpu.memory_space<semaphore_mem>>)
      %dma_wait3A = arith.constant 0 : i32
      %dma_wait3A_22 = arith.constant 0 : i32
      %dma_wait3A_23 = tpu.memref_slice %arg8[%arg1, %dma_wait3A, %dma_wait3A_22] : memref<16x64x128xf32, #tpu.memory_space<vmem_shared>> -> memref<1x64x128xf32, #tpu.memory_space<vmem_shared>>
      %dma_wait3A_24 = tpu.memref_squeeze %dma_wait3A_23 : memref<1x64x128xf32, #tpu.memory_space<vmem_shared>> -> memref<64x128xf32, #tpu.memory_space<vmem_shared>>
      %dma_wait3A_25 = arith.constant 0 : i32
      %dma_wait3A_26 = arith.constant 0 : i32
      %dma_wait3A_27 = tpu.memref_slice %arg8[%arg1, %dma_wait3A_25, %dma_wait3A_26] : memref<16x64x128xf32, #tpu.memory_space<vmem_shared>> -> memref<1x64x128xf32, #tpu.memory_space<vmem_shared>>
      %dma_wait3A_28 = tpu.memref_squeeze %dma_wait3A_27 : memref<1x64x128xf32, #tpu.memory_space<vmem_shared>> -> memref<64x128xf32, #tpu.memory_space<vmem_shared>>
      tpu.wait_dma2 semaphore(%run_scoped3A : memref<!tpu.dma_semaphore, #tpu.memory_space<semaphore_mem>>) src(%arg7 : memref<64x128xf32, #tpu.memory_space<vmem>>) dst(%dma_wait3A_28 : memref<64x128xf32, #tpu.memory_space<vmem_shared>>)
      tpu.yield
    }) : () -> ()
    %scan3A_8 = arith.constant 0 : i32
    %scan3A_9 = arith.constant 0 : i32
    %scan3A_10 = arith.constant 4 : i32
    %scan3A_11 = arith.addi %scan3A_9, %scan3A_10 : i32
    %scan3A_12 = arith.constant 1 : i32
    %scan3A_13 = scf.for %scan3A_15 = %scan3A_9 to %scan3A_11 step %scan3A_12 iter_args(%scan3A_16 = %scan3A_8) -> (i32)  : i32 {
      %mul3A_17 = arith.constant 32 : i32
      %mul3A_18 = arith.muli %scan3A_15, %mul3A_17 : i32
      %add3A_19 = arith.addi %add3A, %mul3A_18 : i32
      %lt3A = arith.constant 125 : i32
      %lt3A_20 = arith.cmpi slt, %add3A_19, %lt3A : i32
      %convert_element_type3A = arith.extui %lt3A_20 : i1 to i32
      %cond3A = arith.constant 0 : i32
      %cond3A_21 = arith.cmpi ne, %convert_element_type3A, %cond3A : i32
      scf.if %cond3A_21 {
        %mul3A_23 = arith.constant 80 : i32
        %mul3A_24 = arith.muli %add3A_19, %mul3A_23 : i32
        "tpu.region"() ({
          %run_scoped3A_25 = tpu.sem_alloc : memref<!tpu.dma_semaphore, #tpu.memory_space<semaphore_mem>>
          %dma_start3A = arith.constant 0 : i32
          %dma_start3A_26 = tpu.memref_slice %arg2[%mul3A_24, %dma_start3A] : memref<10000x128xf32, #tpu.memory_space<hbm>> -> memref<80x128xf32, #tpu.memory_space<hbm>>
          %dma_start3A_27 = arith.constant 0 : i32
          %dma_start3A_28 = tpu.memref_slice %arg2[%mul3A_24, %dma_start3A_27] : memref<10000x128xf32, #tpu.memory_space<hbm>> -> memref<80x128xf32, #tpu.memory_space<hbm>>
          tpu.enqueue_dma source(%dma_start3A_28 : memref<80x128xf32, #tpu.memory_space<hbm>>) target(%arg5 : memref<80x128xf32, #tpu.memory_space<vmem>>) target_semaphore(%run_scoped3A_25 : memref<!tpu.dma_semaphore, #tpu.memory_space<semaphore_mem>>)
          %dma_wait3A = arith.constant 0 : i32
          %dma_wait3A_29 = tpu.memref_slice %arg2[%mul3A_24, %dma_wait3A] : memref<10000x128xf32, #tpu.memory_space<hbm>> -> memref<80x128xf32, #tpu.memory_space<hbm>>
          %dma_wait3A_30 = arith.constant 0 : i32
          %dma_wait3A_31 = tpu.memref_slice %arg2[%mul3A_24, %dma_wait3A_30] : memref<10000x128xf32, #tpu.memory_space<hbm>> -> memref<80x128xf32, #tpu.memory_space<hbm>>
          tpu.wait_dma2 semaphore(%run_scoped3A_25 : memref<!tpu.dma_semaphore, #tpu.memory_space<semaphore_mem>>) src(%dma_wait3A_31 : memref<80x128xf32, #tpu.memory_space<hbm>>) dst(%arg5 : memref<80x128xf32, #tpu.memory_space<vmem>>)
          tpu.yield
        }) : () -> ()
        "tpu.region"() ({
          %run_scoped3A_25 = tpu.sem_alloc : memref<!tpu.dma_semaphore, #tpu.memory_space<semaphore_mem>>
          %dma_start3A = arith.constant 0 : i32
          %dma_start3A_26 = tpu.memref_slice %arg3[%add3A_19, %dma_start3A] : memref<125x80xi32, #tpu.memory_space<hbm>> -> memref<1x80xi32, #tpu.memory_space<hbm>>
          %dma_start3A_27 = arith.constant 0 : i32
          %dma_start3A_28 = tpu.memref_slice %arg3[%add3A_19, %dma_start3A_27] : memref<125x80xi32, #tpu.memory_space<hbm>> -> memref<1x80xi32, #tpu.memory_space<hbm>>
          tpu.enqueue_dma source(%dma_start3A_28 : memref<1x80xi32, #tpu.memory_space<hbm>>) target(%arg6 : memref<1x80xi32, #tpu.memory_space<vmem>>) target_semaphore(%run_scoped3A_25 : memref<!tpu.dma_semaphore, #tpu.memory_space<semaphore_mem>>)
          %dma_wait3A = arith.constant 0 : i32
          %dma_wait3A_29 = tpu.memref_slice %arg3[%add3A_19, %dma_wait3A] : memref<125x80xi32, #tpu.memory_space<hbm>> -> memref<1x80xi32, #tpu.memory_space<hbm>>
          %dma_wait3A_30 = arith.constant 0 : i32
          %dma_wait3A_31 = tpu.memref_slice %arg3[%add3A_19, %dma_wait3A_30] : memref<125x80xi32, #tpu.memory_space<hbm>> -> memref<1x80xi32, #tpu.memory_space<hbm>>
          tpu.wait_dma2 semaphore(%run_scoped3A_25 : memref<!tpu.dma_semaphore, #tpu.memory_space<semaphore_mem>>) src(%dma_wait3A_31 : memref<1x80xi32, #tpu.memory_space<hbm>>) dst(%arg6 : memref<1x80xi32, #tpu.memory_space<vmem>>)
          tpu.yield
        }) : () -> ()
        %run_scoped3A = arith.constant 0 : i32
        "tpu.region"() ({
          %run_scoped3A_25 = tpu.sem_alloc : memref<!tpu.dma_semaphore, #tpu.memory_space<semaphore_mem>>
          %dma_start3A = arith.constant 0 : i32
          %dma_start3A_26 = tpu.memref_slice %arg6[%run_scoped3A, %dma_start3A] : memref<1x80xi32, #tpu.memory_space<vmem>> -> memref<1x80xi32, #tpu.memory_space<vmem>>
          %dma_start3A_27 = tpu.memref_squeeze %dma_start3A_26 : memref<1x80xi32, #tpu.memory_space<vmem>> -> memref<80xi32, #tpu.memory_space<vmem>>
          %dma_start3A_28 = arith.constant 0 : i32
          %dma_start3A_29 = arith.constant 0 : i32
          %dma_start3A_30 = tpu.memref_slice %arg8[%arg1, %dma_start3A_28, %dma_start3A_29] : memref<16x64x128xf32, #tpu.memory_space<vmem_shared>> -> memref<1x64x128xf32, #tpu.memory_space<vmem_shared>>
          %dma_start3A_31 = tpu.memref_squeeze %dma_start3A_30 : memref<1x64x128xf32, #tpu.memory_space<vmem_shared>> -> memref<64x128xf32, #tpu.memory_space<vmem_shared>>
          %dma_start3A_32 = arith.constant 0 : i32
          %dma_start3A_33 = arith.constant 0 : i32
          %dma_start3A_34 = tpu.memref_slice %dma_start3A_31[%dma_start3A_32, %dma_start3A_33] : memref<64x128xf32, #tpu.memory_space<vmem_shared>> -> memref<64x128xf32, #tpu.memory_space<vmem_shared>>
          tpu.enqueue_indirect_dma source(%arg5 : memref<80x128xf32, #tpu.memory_space<vmem>>) target(%dma_start3A_34 : memref<64x128xf32, #tpu.memory_space<vmem_shared>>) offsets(%dma_start3A_27 : memref<80xi32, #tpu.memory_space<vmem>>) semaphore(%run_scoped3A_25 : memref<!tpu.dma_semaphore, #tpu.memory_space<semaphore_mem>>) {add = true}
          %dma_wait3A = arith.constant 0 : i32
          %dma_wait3A_35 = tpu.memref_slice %arg6[%run_scoped3A, %dma_wait3A] : memref<1x80xi32, #tpu.memory_space<vmem>> -> memref<1x80xi32, #tpu.memory_space<vmem>>
          %dma_wait3A_36 = tpu.memref_squeeze %dma_wait3A_35 : memref<1x80xi32, #tpu.memory_space<vmem>> -> memref<80xi32, #tpu.memory_space<vmem>>
          %dma_wait3A_37 = arith.constant 0 : i32
          %dma_wait3A_38 = arith.constant 0 : i32
          %dma_wait3A_39 = tpu.memref_slice %arg8[%arg1, %dma_wait3A_37, %dma_wait3A_38] : memref<16x64x128xf32, #tpu.memory_space<vmem_shared>> -> memref<1x64x128xf32, #tpu.memory_space<vmem_shared>>
          %dma_wait3A_40 = tpu.memref_squeeze %dma_wait3A_39 : memref<1x64x128xf32, #tpu.memory_space<vmem_shared>> -> memref<64x128xf32, #tpu.memory_space<vmem_shared>>
          %dma_wait3A_41 = arith.constant 0 : i32
          %dma_wait3A_42 = arith.constant 0 : i32
          %dma_wait3A_43 = tpu.memref_slice %dma_wait3A_40[%dma_wait3A_41, %dma_wait3A_42] : memref<64x128xf32, #tpu.memory_space<vmem_shared>> -> memref<64x128xf32, #tpu.memory_space<vmem_shared>>
          tpu.wait_indirect_dma semaphore(%run_scoped3A_25 : memref<!tpu.dma_semaphore, #tpu.memory_space<semaphore_mem>>) src(%arg5 : memref<80x128xf32, #tpu.memory_space<vmem>>) dst(%dma_wait3A_43 : memref<64x128xf32, #tpu.memory_space<vmem_shared>>)
          tpu.yield
        }) : () -> ()
      } else {
      }
      %scan3A_22 = arith.constant 0 : i32
      scf.yield %scan3A_22 : i32
    }
    %scan3A_14 = arith.constant 4 : i32
    "tpu.region"() ({
      %run_scoped3A = tpu.sem_alloc : memref<!tpu.dma_semaphore, #tpu.memory_space<semaphore_mem>>
      %dma_start3A = arith.constant 0 : i32
      %dma_start3A_15 = arith.constant 0 : i32
      %dma_start3A_16 = tpu.memref_slice %arg4[%add3A, %dma_start3A, %dma_start3A_15] : memref<32x64x128xf32, #tpu.memory_space<hbm>> -> memref<1x64x128xf32, #tpu.memory_space<hbm>>
      %dma_start3A_17 = tpu.memref_squeeze %dma_start3A_16 : memref<1x64x128xf32, #tpu.memory_space<hbm>> -> memref<64x128xf32, #tpu.memory_space<hbm>>
      %dma_start3A_18 = arith.constant 0 : i32
      %dma_start3A_19 = arith.constant 0 : i32
      %dma_start3A_20 = tpu.memref_slice %arg8[%arg1, %dma_start3A_18, %dma_start3A_19] : memref<16x64x128xf32, #tpu.memory_space<vmem_shared>> -> memref<1x64x128xf32, #tpu.memory_space<vmem_shared>>
      %dma_start3A_21 = tpu.memref_squeeze %dma_start3A_20 : memref<1x64x128xf32, #tpu.memory_space<vmem_shared>> -> memref<64x128xf32, #tpu.memory_space<vmem_shared>>
      tpu.enqueue_dma source(%dma_start3A_21 : memref<64x128xf32, #tpu.memory_space<vmem_shared>>) target(%dma_start3A_17 : memref<64x128xf32, #tpu.memory_space<hbm>>) target_semaphore(%run_scoped3A : memref<!tpu.dma_semaphore, #tpu.memory_space<semaphore_mem>>)
      %dma_wait3A = arith.constant 0 : i32
      %dma_wait3A_22 = arith.constant 0 : i32
      %dma_wait3A_23 = tpu.memref_slice %arg4[%add3A, %dma_wait3A, %dma_wait3A_22] : memref<32x64x128xf32, #tpu.memory_space<hbm>> -> memref<1x64x128xf32, #tpu.memory_space<hbm>>
      %dma_wait3A_24 = tpu.memref_squeeze %dma_wait3A_23 : memref<1x64x128xf32, #tpu.memory_space<hbm>> -> memref<64x128xf32, #tpu.memory_space<hbm>>
      %dma_wait3A_25 = arith.constant 0 : i32
      %dma_wait3A_26 = arith.constant 0 : i32
      %dma_wait3A_27 = tpu.memref_slice %arg8[%arg1, %dma_wait3A_25, %dma_wait3A_26] : memref<16x64x128xf32, #tpu.memory_space<vmem_shared>> -> memref<1x64x128xf32, #tpu.memory_space<vmem_shared>>
      %dma_wait3A_28 = tpu.memref_squeeze %dma_wait3A_27 : memref<1x64x128xf32, #tpu.memory_space<vmem_shared>> -> memref<64x128xf32, #tpu.memory_space<vmem_shared>>
      tpu.wait_dma2 semaphore(%run_scoped3A : memref<!tpu.dma_semaphore, #tpu.memory_space<semaphore_mem>>) src(%dma_wait3A_28 : memref<64x128xf32, #tpu.memory_space<vmem_shared>>) dst(%dma_wait3A_24 : memref<64x128xf32, #tpu.memory_space<hbm>>)
      tpu.yield
    }) : () -> ()
    return
  }
}

module attributes {stable_mosaic.version = 14 : i64} {
  func.func @_lin_body(%arg0: memref<64x16xf32, #tpu.memory_space<vmem>>, %arg1: memref<32x64x128xf32, #tpu.memory_space<vmem>>, %arg2: memref<64x128xf32, #tpu.memory_space<vmem>>, %arg3: memref<272x128xf32, #tpu.memory_space<vmem>>, %arg4: memref<1x128xf32, #tpu.memory_space<vmem>>, %arg5: memref<64x128xf32, #tpu.memory_space<vmem>>) attributes {dimension_semantics = [], scalar_prefetch = 0 : i64, scratch_operands = 0 : i64, tpu.core_type = #tpu.core_type<tc>} {
    %get3A = arith.constant 0 : index
    %get3A_0 = arith.constant 0 : index
    %get3A_1 = arith.constant 0 : index
    %get3A_2 = vector.load %arg1[%get3A, %get3A_0, %get3A_1] : memref<32x64x128xf32, #tpu.memory_space<vmem>>, vector<32x64x128xf32>
    %reduce_sum3A = arith.constant dense<0.000000e+00> : vector<64x128xf32>
    %reduce_sum3A_3 = vector.multi_reduction <add>, %get3A_2, %reduce_sum3A [0] : vector<32x64x128xf32> to vector<64x128xf32>
    %get3A_4 = arith.constant 0 : index
    %get3A_5 = arith.constant 0 : index
    %get3A_6 = vector.load %arg3[%get3A_4, %get3A_5] : memref<272x128xf32, #tpu.memory_space<vmem>>, vector<272x128xf32>
    %get3A_7 = arith.constant 0 : index
    %get3A_8 = arith.constant 0 : index
    %get3A_9 = vector.load %arg0[%get3A_7, %get3A_8] : memref<64x16xf32, #tpu.memory_space<vmem>>, vector<64x16xf32>
    %slice3A = vector.extract_strided_slice %get3A_6 {offsets = [0, 0], sizes = [16, 128], strides = [1, 1]} : vector<272x128xf32> to vector<16x128xf32>
    %dot_general3A = arith.constant dense<0.000000e+00> : vector<64x128xf32>
    %dot_general3A_10 = tpu.matmul %get3A_9, %slice3A, %dot_general3A {dimension_numbers = #tpu.dot_dimension_numbers<[1], [0], [0], [1], [0, 0, 1, 1], [], []>, transpose_lhs_hint = false} : vector<64x16xf32>, vector<16x128xf32>, vector<64x128xf32> -> vector<64x128xf32>
    %slice3A_11 = vector.extract_strided_slice %get3A_6 {offsets = [16, 0], sizes = [128, 128], strides = [1, 1]} : vector<272x128xf32> to vector<128x128xf32>
    %dot_general3A_12 = arith.constant dense<0.000000e+00> : vector<64x128xf32>
    %dot_general3A_13 = tpu.matmul %reduce_sum3A_3, %slice3A_11, %dot_general3A_12 {dimension_numbers = #tpu.dot_dimension_numbers<[1], [0], [0], [1], [0, 0, 1, 1], [], []>, transpose_lhs_hint = false} : vector<64x128xf32>, vector<128x128xf32>, vector<64x128xf32> -> vector<64x128xf32>
    %add3A = arith.addf %dot_general3A_10, %dot_general3A_13 : vector<64x128xf32>
    %get3A_14 = arith.constant 0 : index
    %get3A_15 = arith.constant 0 : index
    %get3A_16 = vector.load %arg2[%get3A_14, %get3A_15] : memref<64x128xf32, #tpu.memory_space<vmem>>, vector<64x128xf32>
    %slice3A_17 = vector.extract_strided_slice %get3A_6 {offsets = [144, 0], sizes = [128, 128], strides = [1, 1]} : vector<272x128xf32> to vector<128x128xf32>
    %dot_general3A_18 = arith.constant dense<0.000000e+00> : vector<64x128xf32>
    %dot_general3A_19 = tpu.matmul %get3A_16, %slice3A_17, %dot_general3A_18 {dimension_numbers = #tpu.dot_dimension_numbers<[1], [0], [0], [1], [0, 0, 1, 1], [], []>, transpose_lhs_hint = false} : vector<64x128xf32>, vector<128x128xf32>, vector<64x128xf32> -> vector<64x128xf32>
    %add3A_20 = arith.addf %add3A, %dot_general3A_19 : vector<64x128xf32>
    %get3A_21 = arith.constant 0 : index
    %get3A_22 = arith.constant 0 : index
    %get3A_23 = vector.load %arg4[%get3A_21, %get3A_22] : memref<1x128xf32, #tpu.memory_space<vmem>>, vector<1x128xf32>
    %get3A_24 = vector.shape_cast %get3A_23 : vector<1x128xf32> to vector<128xf32>
    %broadcast_in_dim3A = vector.shape_cast %get3A_24 : vector<128xf32> to vector<1x128xf32>
    %add3A_25 = vector.broadcast %broadcast_in_dim3A : vector<1x128xf32> to vector<64x128xf32>
    %add3A_26 = arith.addf %add3A_20, %add3A_25 : vector<64x128xf32>
    %swap3A = arith.constant 0 : index
    %swap3A_27 = arith.constant 0 : index
    %swap3A_28 = vector.load %arg5[%swap3A, %swap3A_27] : memref<64x128xf32, #tpu.memory_space<vmem>>, vector<64x128xf32>
    tpu.vector_store %arg5[%swap3A, %swap3A_27], %add3A_26 {strides = array<i32>} : memref<64x128xf32, #tpu.memory_space<vmem>>, vector<64x128xf32>,
    return
  }
}

module attributes {stable_mosaic.version = 14 : i64} {
  func.func @_edges_body(%arg0: i32, %arg1: memref<1x1x12800xi32, #tpu.memory_space<vmem>>, %arg2: memref<16x12800xf32, #tpu.memory_space<vmem>>, %arg3: memref<64x16xf32, #tpu.memory_space<vmem>>, %arg4: memref<64x16xf32, #tpu.memory_space<vmem>>) attributes {dimension_semantics = [#tpu.dimension_semantics<arbitrary>], iteration_bounds = array<i64: 25>, scalar_prefetch = 0 : i64, scratch_operands = 1 : i64, tpu.core_type = #tpu.core_type<tc>, window_params = [{transform_indices = @transform_0, window_bounds = array<i64: 1, 1, 12800>}, {transform_indices = @transform_1, window_bounds = array<i64: 16, 12800>}, {pipeline_mode = #tpu.pipeline_mode<synchronous>, transform_indices = @transform_2, window_bounds = array<i64: 64, 16>}]} {
    %eq3A = arith.constant 0 : i32
    %eq3A_0 = arith.cmpi eq, %arg0, %eq3A : i32
    %convert_element_type3A = arith.extui %eq3A_0 : i1 to i32
    %cond3A = arith.constant 0 : i32
    %cond3A_1 = arith.cmpi ne, %convert_element_type3A, %cond3A : i32
    scf.if %cond3A_1 {
      %broadcast_in_dim3A_26 = arith.constant 0.000000e+00 : f32
      %broadcast_in_dim3A_27 = vector.broadcast %broadcast_in_dim3A_26 : f32 to vector<64x16xf32>
      %swap3A_28 = arith.constant 0 : index
      %swap3A_29 = arith.constant 0 : index
      %swap3A_30 = vector.load %arg4[%swap3A_28, %swap3A_29] : memref<64x16xf32, #tpu.memory_space<vmem>>, vector<64x16xf32>
      tpu.vector_store %arg4[%swap3A_28, %swap3A_29], %broadcast_in_dim3A_27 {strides = array<i32>} : memref<64x16xf32, #tpu.memory_space<vmem>>, vector<64x16xf32>,
    } else {
    }
    %iota3A = tpu.iota {dimensions = array<i32: 0>} : vector<64x12800xi32>
    %get3A = arith.constant 0 : index
    %get3A_2 = arith.constant 0 : index
    %get3A_3 = arith.constant 0 : index
    %get3A_4 = vector.load %arg1[%get3A, %get3A_2, %get3A_3] : memref<1x1x12800xi32, #tpu.memory_space<vmem>>, vector<1x1x12800xi32>
    %get3A_5 = vector.shape_cast %get3A_4 : vector<1x1x12800xi32> to vector<12800xi32>
    %broadcast_in_dim3A = vector.shape_cast %get3A_5 : vector<12800xi32> to vector<1x12800xi32>
    %eq3A_6 = vector.broadcast %broadcast_in_dim3A : vector<1x12800xi32> to vector<64x12800xi32>
    %eq3A_7 = arith.cmpi eq, %eq3A_6, %iota3A : vector<64x12800xi32>
    %convert_element_type3A_8 = arith.extui %eq3A_7 : vector<64x12800xi1> to vector<64x12800xi32>
    %convert_element_type3A_9 = arith.sitofp %convert_element_type3A_8 : vector<64x12800xi32> to vector<64x12800xf32>
    %convert_element_type3A_10 = arith.truncf %convert_element_type3A_9 : vector<64x12800xf32> to vector<64x12800xbf16>
    %get3A_11 = arith.constant 0 : index
    %get3A_12 = arith.constant 0 : index
    %get3A_13 = vector.load %arg2[%get3A_11, %get3A_12] : memref<16x12800xf32, #tpu.memory_space<vmem>>, vector<16x12800xf32>
    %convert_element_type3A_14 = arith.truncf %get3A_13 : vector<16x12800xf32> to vector<16x12800xbf16>
    %transpose3A = tpu.transpose %convert_element_type3A_14, [1, 0] : vector<16x12800xbf16> -> vector<12800x16xbf16>
    %get3A_15 = arith.constant 0 : index
    %get3A_16 = arith.constant 0 : index
    %get3A_17 = vector.load %arg4[%get3A_15, %get3A_16] : memref<64x16xf32, #tpu.memory_space<vmem>>, vector<64x16xf32>
    %dot_general3A = arith.constant dense<0.000000e+00> : vector<64x16xf32>
    %dot_general3A_18 = tpu.matmul %convert_element_type3A_10, %transpose3A, %dot_general3A {dimension_numbers = #tpu.dot_dimension_numbers<[1], [0], [0], [1], [0, 0, 1, 1], [], []>, transpose_lhs_hint = false} : vector<64x12800xbf16>, vector<12800x16xbf16>, vector<64x16xf32> -> vector<64x16xf32>
    %add3A = arith.addf %get3A_17, %dot_general3A_18 : vector<64x16xf32>
    %swap3A = arith.constant 0 : index
    %swap3A_19 = arith.constant 0 : index
    %swap3A_20 = vector.load %arg4[%swap3A, %swap3A_19] : memref<64x16xf32, #tpu.memory_space<vmem>>, vector<64x16xf32>
    tpu.vector_store %arg4[%swap3A, %swap3A_19], %add3A {strides = array<i32>} : memref<64x16xf32, #tpu.memory_space<vmem>>, vector<64x16xf32>,
    %eq3A_21 = arith.constant 24 : i32
    %eq3A_22 = arith.cmpi eq, %arg0, %eq3A_21 : i32
    %convert_element_type3A_23 = arith.extui %eq3A_22 : i1 to i32
    %cond3A_24 = arith.constant 0 : i32
    %cond3A_25 = arith.cmpi ne, %convert_element_type3A_23, %cond3A_24 : i32
    scf.if %cond3A_25 {
      %get3A_26 = arith.constant 0 : index
      %get3A_27 = arith.constant 0 : index
      %get3A_28 = vector.load %arg4[%get3A_26, %get3A_27] : memref<64x16xf32, #tpu.memory_space<vmem>>, vector<64x16xf32>
      %swap3A_29 = arith.constant 0 : index
      %swap3A_30 = arith.constant 0 : index
      %swap3A_31 = vector.load %arg3[%swap3A_29, %swap3A_30] : memref<64x16xf32, #tpu.memory_space<vmem>>, vector<64x16xf32>
      tpu.vector_store %arg3[%swap3A_29, %swap3A_30], %get3A_28 {strides = array<i32>} : memref<64x16xf32, #tpu.memory_space<vmem>>, vector<64x16xf32>,
    } else {
    }
    return
  }
  func.func @transform_0(%arg0: i32) -> (i32, i32, i32) {
    %c0_i32 = arith.constant 0 : i32
    %c0_i32_0 = arith.constant 0 : i32
    %c0_i32_1 = arith.constant 0 : i32
    return %arg0, %c0_i32, %c0_i32_0 : i32, i32, i32
  }
  func.func @transform_1(%arg0: i32) -> (i32, i32) {
    %c0_i32 = arith.constant 0 : i32
    %c0_i32_0 = arith.constant 0 : i32
    return %c0_i32, %arg0 : i32, i32
  }
  func.func @transform_2(%arg0: i32) -> (i32, i32) {
    %c0_i32 = arith.constant 0 : i32
    %c0_i32_0 = arith.constant 0 : i32
    %c0_i32_1 = arith.constant 0 : i32
    return %c0_i32, %c0_i32_0 : i32, i32
  }
}

</mosaic_0001>

<sc_bundles>
// kernel: _global_block.5.cloned.1.call-start
scs
__scs_entry_jumppad:
0x0: {  	(pc) =	sbr.rel $0x88, $3  }
0x1: {  	(tag) =	ssettag $0x0;
	lr =	simm.s32 $0x1  }
0x2: {  	[smem:$0x3F9A] =	sst lr;
	_ =	strace $0xD0000000  }
0x3: {  	_ = 	snop  }
0x4: {  	_ = 	snop  }
0x5: {  	_ = 	snop  }
0x6: {  	_ = 	snop  }
0x7: {  	_ = 	snop  }
__scs_overlays_trampoline_lowered:
0x8: {  	[smem:$0x3FA9] =	sst s0  }
0x9: {  	[smem:$0x3FAA] =	sst s1  }
0xa: {  	[smem:$0x3FAB] =	sst s2  }
0xb: {  	[smem:$0x3FAC] =	sst s3  }
0xc: {  	[smem:$0x3FAD] =	sst s4  }
0xd: {  	[smem:$0x3FAE] =	sst s5  }
0xe: {  	[smem:$0x3FAF] =	sst s6  }
0xf: {  	[smem:$0x3FB0] =	sst s7  }
0x10: {  	[smem:$0x3FB1] =	sst s8  }
0x11: {  	[smem:$0x3FB2] =	sst s9;
	s0 =	simm.s32 @!p0 $0x0  }
0x12: {  	s1 =	sld [smem:$0x3F98];
	s0 =	simm.s32 @p0 $0x1  }
0x13: {  	[smem:$0x3FB3] =	sst s0;
	s0 =	simm.s32 @!p1 $0x0  }
0x14: {  	s2 =	sld [smem:$0x3F97];
	s0 =	simm.s32 @p1 $0x1  }
0x15: {  	[smem:$0x3FB4] =	sst s0;
	s0 =	simm.s32 @!p2 $0x0  }
0x16: {  	s3 =	sld [smem:$0x3FDB];
	s0 =	simm.s32 @p2 $0x1  }
0x17: {  	s4 =	simm.s32 $0x1BF5;
	[smem:$0x3FB6] =	sst s0  }
0x18: {  	s0 =	sld [smem:$0x3F99];
	_ =	swait.ge [sflag:s4], $0x0  }
0x19: {  	s7 =	sld [smem:$0x3F9A]  }
0x1a: {  	s8 =	sadd.s32 $0xFFFFE003, lr  }
0x1b: {  	s9 =	sadd.s32 $0xFFFFFEF7, lr;
	s5 =	simm.s32 $0xFFFFFFFF;
	p2 =	slt.u32 s8, $0xFFFFF086  }
0x1c: {  	p1 =	slt.u32 s9, $0xF7A;
	s5 =	simm.s32 @!p2 $0x0  }
0x1d: {  	s5 =	simm.s32 @p1 $0x1;
	p0 =	seq.s32 s7, s2  }
0x1e: {  	s7 =	smul.u32 @!p0 $0xF7A, s2;
	p2 =	seq.s32 @!p0 s5, $0x0  }
0x1f: {  	s9 =	smul.u32 $0xF7A, s1;
	s8 =	simm.s32 @!p0 $0x1BF5;
	p2 =	por !p2, p0  }
0x20: {  	[sflag:s8] =	ssyncset.s32 @!p0 $0xFFFFF086;
	s6 =	sadd.s32 @!p0 s3, s7;
	s7 =	simm.s32 @!p0 $0x108  }
0x21: {  	s3 =	sadd.s32 s3, s9;
	s6 =	sadd.s32 @!p0 $0x88, s6;
	s7 =	simm.s32 @p2 $0x1082  }
0x22: {  	[simem:s7], [sflag:s8] =	dma.local @!p0 [hbm:s6], $0xF7A  }
0x23: {  	s9 =	sor.u32 $0xD0000000, s2;
	s6 =	simm.s32 $0x108;
	_ =	swait.ge @!p0 [sflag:s8], $0x0  }
0x24: {  	s3 =	sadd.s32 $0x88, s3;
	s6 =	simm.s32 @!p1 $0x1082;
	[sflag:s4] =	ssyncset.s32 $0xFFFFF086  }
0x25: {  	[simem:s6], [sflag:s4] =	dma.local [hbm:s3], $0xF7A  }
0x26: {  	[smem:$0x3F9A] =	sst s1;
	(tag) =	ssettag s2;
	_ =	strace s9  }
0x27: {  	s1 =	sld [smem:$0x3FAA]  }
0x28: {  	s2 =	sld [smem:$0x3FAB]  }
0x29: {  	s4 =	sld [smem:$0x3FAD]  }
0x2a: {  	p0 =	seq.s32 s5, $0x0;
	s5 =	sld [smem:$0x3FAE]  }
0x2b: {  	s6 =	sld [smem:$0x3FAF]  }
0x2c: {  	s7 =	sld [smem:$0x3FB0]  }
0x2d: {  	s3 =	simm.s32 $0x108;
	s8 =	sld [smem:$0x3FB1]  }
0x2e: {  	s3 =	simm.s32 @!p0 $0x1082;
	s9 =	sld [smem:$0x3FB2]  }
0x2f: {  	lr =	sadd.s32 s0, s3;
	s0 =	sld [smem:$0x3FA9]  }
0x30: {  	s3 =	sld [smem:$0x3FAC]  }
0x31: {  	[smem:$0x3FB5] =	sst s10  }
0x32: {  	s10 =	sld [smem:$0x3FB3];
	_ =	sdelay $0x3  }
0x33: {  	p0 =	seq.s32 s10, $0x1;
	s10 =	sld [smem:$0x3FB5];
	_ =	sdelay $0x3  }
0x34: {  	[smem:$0x3FB5] =	sst s10  }
0x35: {  	s10 =	sld [smem:$0x3FB4];
	_ =	sdelay $0x3  }
0x36: {  	p1 =	seq.s32 s10, $0x1;
	s10 =	sld [smem:$0x3FB5];
	_ =	sdelay $0x3  }
0x37: {  	[smem:$0x3FB5] =	sst s10  }
0x38: {  	s10 =	sld [smem:$0x3FB6]  }
0x39: {  	_ = 	snop;
	(pc) =	sbr.ind lr, $3  }
0x3a: {  	_ = 	snop  }
0x3b: {  	_ = 	snop  }
0x3c: {  	p2 =	seq.s32 s10, $0x1;
	s10 =	sld [smem:$0x3FB5]  }
0x3d: {  	_ =	shalt  }
0x3e: {  	_ =	shalt  }
0x3f: {  	_ =	shalt  }
0x40: {  	_ =	shalt  }
0x41: {  	_ =	shalt  }
0x42: {  	_ =	shalt  }
0x43: {  	_ =	shalt  }
0x44: {  	_ =	shalt  }
0x45: {  	_ =	shalt  }
0x46: {  	_ =	shalt  }
0x47: {  	_ =	shalt  }
0x48: {  	_ =	shalt  }
0x49: {  	_ =	shalt  }
0x4a: {  	_ =	shalt  }
0x4b: {  	_ =	shalt  }
0x4c: {  	_ =	shalt  }
0x4d: {  	_ =	shalt  }
0x4e: {  	_ =	shalt  }
0x4f: {  	_ =	shalt  }
0x50: {  	_ =	shalt  }
0x51: {  	_ =	shalt  }
0x52: {  	_ =	shalt  }
0x53: {  	_ =	shalt  }
0x54: {  	_ =	shalt  }
0x55: {  	_ =	shalt  }
0x56: {  	_ =	shalt  }
0x57: {  	_ =	shalt  }
0x58: {  	_ =	shalt  }
0x59: {  	_ =	shalt  }
0x5a: {  	_ =	shalt  }
0x5b: {  	_ =	shalt  }
0x5c: {  	_ =	shalt  }
0x5d: {  	_ =	shalt  }
0x5e: {  	_ =	shalt  }
0x5f: {  	_ =	shalt  }
0x60: {  	_ =	shalt  }
0x61: {  	_ =	shalt  }
0x62: {  	_ =	shalt  }
0x63: {  	_ =	shalt  }
0x64: {  	_ =	shalt  }
0x65: {  	_ =	shalt  }
0x66: {  	_ =	shalt  }
0x67: {  	_ =	shalt  }
0x68: {  	_ =	shalt  }
0x69: {  	_ =	shalt  }
0x6a: {  	_ =	shalt  }
0x6b: {  	_ =	shalt  }
0x6c: {  	_ =	shalt  }
0x6d: {  	_ =	shalt  }
0x6e: {  	_ =	shalt  }
0x6f: {  	_ =	shalt  }
0x70: {  	_ =	shalt  }
0x71: {  	_ =	shalt  }
0x72: {  	_ =	shalt  }
0x73: {  	_ =	shalt  }
0x74: {  	_ =	shalt  }
0x75: {  	_ =	shalt  }
0x76: {  	_ =	shalt  }
0x77: {  	_ =	shalt  }
0x78: {  	_ =	shalt  }
0x79: {  	_ =	shalt  }
0x7a: {  	_ =	shalt  }
0x7b: {  	_ =	shalt  }
0x7c: {  	_ =	shalt  }
0x7d: {  	_ =	shalt  }
0x7e: {  	_ =	shalt  }
0x7f: {  	_ =	shalt  }
0x80: {  	_ =	shalt  }
0x81: {  	_ =	shalt  }
0x82: {  	_ =	shalt  }
0x83: {  	_ =	shalt  }
0x84: {  	_ =	shalt  }
0x85: {  	_ =	shalt  }
0x86: {  	_ =	shalt  }
0x87: {  	_ =	shalt  }
.Lfunc_end0:
.L_simem_size_0:
called_computation_lowered:
.L_overlay_start_0:
0x88: {  	s2 =	sld [smem:$0x3FD9]  }
0x89: {  	s3 =	sld [smem:$0x3FFE];
	_ =	sdelay $0x1  }
0x8a: {  	s1 =	srdreg.scid  }
0x8b: {  	s0 =	sand.u32 $0x1, s1  }
0x8c: {  	s17 =	sshll.u32 s0, $0xA;
	s2 =	sadd.s32 s3, s2  }
0x8d: {  	s2 =	sadd.s32 s2, s17  }
0x8e: {  	[smem:$0x3FC1] =	sst s2  }
0x8f: {  	_ = 	snop  }
0x90: {  	s2 =	sld [smem:$0x3FC9]  }
0x91: {  	s18 =	sld [smem:$0x3FC6];
	(tm) =	ssettm $0x1  }
0x92: {  	s4 =	sld [smem:$0x3FFB];
	_ =	sdelay $0x3  }
0x93: {  	_ =	strace s4  }
0x94: {  	s4 =	sld [smem:$0x3FFC];
	_ =	sdelay $0x3  }
0x95: {  	_ =	strace s4  }
0x96: {  	s4 =	sld [smem:$0x3FFD];
	_ =	sdelay $0x3  }
0x97: {  	_ =	strace s4  }
0x98: {  	_ =	strace $0x8FFFFFFF  }
0x99: {  	s19 =	sld [smem:$0x3FDB];
	_ =	sdelay $0x1  }
0x9a: {  	s5 =	simm.s32 $_scs_section_size  }
0x9b: {  	s6 =	simm.s32 $_size__tile_overlayer_lowered;
	s7 =	simm.s32 $_tile_overlayer_lowered  }
0x9c: {  	s22 =	simm.s32 $0x1BFF;
	s21 =	sshll.u32 s7, $0x1;
	s4 =	sadd.s32 s5, s19  }
0x9d: {  	s8 =	simm.s32 $0x0;
	s20 =	sshll.u32 s6, $0x1;
	s6 =	sadd.s32 s21, s4  }
0x9e: {  	[timem:s8], [sflag:s22] =	dma.local [hbm:s6], s20  }
0x9f: {  	_ =	swait.ge [sflag:s22], s20  }
0xa0: {  	s5 =	ssub.s32 $0x0, s20;
	[sflag:s22] =	ssyncset.done $0x0  }
0xa1: {  	[sflag:s22] =	ssyncadd.s32 s5;
	_ =	sdelay $0x1  }
0xa2: {  	s23 =	simm.s32 $0x1B8B  }
0xa3: {  	_ =	swait.ge [sflag:s23], $0x1  }
0xa4: {  	[sflag:s23] =	ssyncset.done $0x0  }
0xa5: {  	s25 =	simm.s32 $0x1B8E;
	s24 =	sld [smem:$0x3FFE];
	[sflag:s23] =	ssyncadd.s32 $0xFFFFFFFF  }
0xa6: {  	s26 =	simm.s32 $execute0_lowered;
	[smem:$0x3FD2] =	sst s25  }
0xa7: {  	s6 =	sshll.u32 s26, $0x1;
	_ =	strace $0x80000046;
	[dreg:$0x1] =	wrdreg $0xFFFFFFFF  }
0xa8: {  	s28 =	simm.s32 $_size_execute0_lowered;
	s4 =	sadd.s32 s4, s6;
	[dreg:$0x0] =	wrdreg $0x0  }
0xa9: {  	s6 =	sshll.u32 s28, $0x1;
	[dreg:$0x2] =	wrdreg s4  }
0xaa: {  	[dreg:$0x3] =	wrdreg s6  }
0xab: {  	[dreg:$0x4] =	wrdreg $0xC0  }
0xac: {  	_ =	task [dreg:s8], $0x5FFFF  }
0xad: {  	[dreg:$0x1] =	wrdreg $0xFFFFFFFF  }
0xae: {  	[dreg:$0x0] =	wrdreg $0x60  }
0xaf: {  	[dreg:$0x2] =	wrdreg s2  }
0xb0: {  	[dreg:$0x3] =	wrdreg s18  }
0xb1: {  	[dreg:$0x4] =	wrdreg s24  }
0xb2: {  	[dreg:$0x5] =	wrdreg $0x48500  }
0xb3: {  	[dreg:$0x6] =	wrdreg $0x9  }
0xb4: {  	_ =	task.clear_ibuf [dreg:s8], $0x7FFFF;
	_ =	strace $0x90000046  }
0xb5: {  	s29 =	simm.s32 $0x9;
	_ =	strace $0x80000048  }
0xb6: {  	_ =	swait.ge [sflag:s29], $0x1  }
0xb7: {  	[sflag:s29] =	ssyncadd.s32 $0xFFFFFFFF  }
0xb8: {  	_ =	strace $0x90000048  }
0xb9: {  	_ =	sfence  }
0xba: {  	s30 =	sld [smem:$0x0];
	_ =	sdelay $0x2  }
0xbb: {  	s31 =	sshll.u32 s1, $0xD;
	s1 =	sshrl.u32 s1, $0x2  }
0xbc: {  	s3 =	sand.u32 $0x4000, s31;
	s1 =	sadd.s32 s1, s30  }
0xbd: {  	s0 =	sor.u32 s3, s0;
	s1 =	sshll.u32 s1, $0x11  }
0xbe: {  	s0 =	sor.u32 s1, s0  }
0xbf: {  	s0 =	sadd.s32 $0x8F2B, s0  }
0xc0: {  	[sflag:s0] =	ssyncadd.remote.s32 $0x1  }
0xc1: {  	_ =	sfence.sel $0xFFFF  }
0xc2: {  	[dreg:$0x0] =	wrdreg $0xFFFFFFFF;
	(pc) =	sbr.abs _section_cstart, $3  }
0xc3: {  	[dreg:$0x1] =	wrdreg $0xFFFFFFFF  }
0xc4: {  	_ =	task.clear_ibuf [dreg:s8], $0x2FFFF;
	_ =	strace $0x9FFFFFFF  }
0xc5: {  	(tm) =	ssettm $0x7FFFFFFF  }
tec
execute0_lowered:
.L_overlay_start_1:
0x0: {  	(tag) =	ssettag $0x1  }
0x1: {  	s12 =	rddreg [dreg:$0x0]  }
0x2: {  	s13 =	rddreg [dreg:$0x1]  }
0x3: {  	s5 =	srdreg.scid;
	s1 =	stileid.u32  }
0x4: {  	s3 =	rddreg [dreg:$0x2];
	s5 =	sand.u32 $0x1, s5;
	s6 =	sshll.u32 s1, $0x1  }
0x5: {  	s4 =	rddreg [dreg:$0x3];
	s6 =	sor.u32 s5, s6  }
0x6: {  	s0 =	rddreg [dreg:$0x4];
	s2 =	simm.s32 $0x0;
	s8 =	smul.u32 $0x500, s6  }
0x7: {  	s19 =	simm.s32 $0x0;
	s9 =	smul.u32 $0xA, s6;
	s10 =	sor.u32 $0x20, s6  }
0x8: {  	[smem:$0x7FF] =	sst s2;
	s14 =	sshll.u32 s1, $0xD;
	s11 =	smul.u32 $0x500, s10  }
0x9: {  	_ =	strace $0x80000047;
	s15 =	sor.u32 $0x40, s6;
	s10 =	smul.u32 $0xA, s10  }
0xa: {  	s5 =	ssub.s32 $0x2, s5;
	s7 =	sshll.u32 s6, $0xA;
	s31 =	smul.u32 $0x500, s15  }
0xb: {  	s30 =	sshrl.u32 s5, $0x1;
	s16 =	sor.u32 $0x60, s6;
	s15 =	smul.u32 $0xA, s15  }
0xc: {  	s7 =	sadd.s32 s7, s3;
	s5 =	ssub.s32 s5, s30;
	s17 =	smul.u32 $0x500, s16  }
0xd: {  	s3 =	sadd.s32 s14, s4;
	s18 =	smul.u32 $0xA, s16;
	p0 =	sgt.u32 s16, $0x7C  }
0xe: {  	s14 =	simm.s32 $0x2850;
	s16 =	simm.s32 $0x2;
	s4 =	sadd.s32 $0xE00, s7  }
0xf: {  	s5 =	smax.u32 s5, $0x1;
	s6 =	sadd.s32 s12, s8;
	s7 =	sadd.s32 s13, s9  }
0x10: {  	s8 =	sadd.s32 s12, s11;
	s9 =	sadd.s32 s13, s10;
	s10 =	sadd.s32 s12, s31  }
0x11: {  	s11 =	sadd.s32 s13, s15;
	s12 =	sadd.s32 s12, s17;
	s13 =	sadd.s32 s13, s18  }
0x12: {  	v0 =	vimm.f32 $0.0e+00;
	s15 =	simm.s32 $0x1;
	s17 =	simm.s32 $0x2800;
	s18 =	simm.s32 $0x50  }
.LBB2_1:
0x13: {  	s20 =	simm.s32 $0x0;
	s21 =	simm.s32 $0x200  }
.LBB2_2:
0x14: {  	p1 =	sne.s32 s21, $0x7E00;
	[tilespmem:s20+$0x28C0] =	vst v0  }
0x15: {  	[tilespmem:s20+$0x2850] =	vst v0  }
0x16: {  	[tilespmem:s20+$0x2860] =	vst v0  }
.Ltmp0:
0x17: {  	[tilespmem:s20+$0x2870] =	vst v0;
	(pc) =	sbr.rel @p1 .LBB2_2-.Ltmp0, $4  }
0x18: {  	[tilespmem:s20+$0x2880] =	vst v0  }
0x19: {  	[tilespmem:s20+$0x2890] =	vst v0  }
0x1a: {  	[tilespmem:s20+$0x28A0] =	vst v0  }
0x1b: {  	[tilespmem:s20+$0x28B0] =	vst v0;
	s20 =	sshra.s32 s21, $0x2;
	s21 =	sadd.s32 $0x200, s21  }
0x1c: {  	[tilespmem:s20+$0x28C0] =	vst v0  }
0x1d: {  	[tilespmem:s20+$0x2850] =	vst v0  }
0x1e: {  	[tilespmem:s20+$0x2860] =	vst v0  }
0x1f: {  	[tilespmem:s20+$0x2870] =	vst v0  }
0x20: {  	[tilespmem:s20+$0x2880] =	vst v0  }
0x21: {  	[tilespmem:s20+$0x2890] =	vst v0  }
0x22: {  	[tilespmem:s20+$0x28A0] =	vst v0  }
0x23: {  	[tilespmem:s20+$0x28B0] =	vst v0  }
0x24: {  	[spmem:s3] =	stream.linear.scatter [tilespmem:s14], [sflag:$0x1], $0x2000, $0x38;
	[tilespmem:$0x6850] =	vst v63  }
0x25: {  	_ =	swait.ge [sflag:s15], $0x2000  }
0x26: {  	[sflag:s15] =	ssyncset.done $0x0  }
0x27: {  	[sflag:s15] =	ssyncadd.s32 $0xFFFFE000  }
0x28: {  	[tilespmem:s2], [sflag:$0x2] =	stream.linear.gather [hbm4b:s6+s2], $0x2800, $0x38;
	[tilespmem:$0x6850] =	vst v63  }
0x29: {  	_ =	swait.ge [sflag:s16], $0x2800  }
0x2a: {  	[sflag:s16] =	ssyncset.done $0x0  }
0x2b: {  	[sflag:s16] =	ssyncadd.s32 $0xFFFFD800  }
0x2c: {  	[tilespmem:s17], [sflag:$0x2] =	stream.linear.gather [hbm4b:s7+s2], $0x50, $0x38;
	[tilespmem:$0x6850] =	vst v63  }
0x2d: {  	_ =	swait.ge [sflag:s16], $0x50  }
0x2e: {  	[sflag:s16] =	ssyncset.done $0x0  }
0x2f: {  	[sflag:s16] =	ssyncadd.s32 $0xFFFFFFB0  }
0x30: {  	[spmem:s3] =	stream.indirect.scatter.add.f32 [tilespmem:s2], [sflag:$0x1], $0x80, s17, s18, $0xb8;
	[tilespmem:$0x6850] =	vst v63  }
0x31: {  	_ =	swait.ge [sflag:s15], $0x2800  }
0x32: {  	[sflag:s15] =	ssyncset.done $0x0  }
0x33: {  	[sflag:s15] =	ssyncadd.s32 $0xFFFFD800  }
0x34: {  	[tilespmem:s2], [sflag:$0x2] =	stream.linear.gather [hbm4b:s8+s2], $0x2800, $0x38;
	[tilespmem:$0x6850] =	vst v63  }
0x35: {  	_ =	swait.ge [sflag:s16], $0x2800  }
0x36: {  	[sflag:s16] =	ssyncset.done $0x0  }
0x37: {  	[sflag:s16] =	ssyncadd.s32 $0xFFFFD800  }
0x38: {  	[tilespmem:s17], [sflag:$0x2] =	stream.linear.gather [hbm4b:s9+s2], $0x50, $0x38;
	[tilespmem:$0x6850] =	vst v63  }
0x39: {  	_ =	swait.ge [sflag:s16], $0x50  }
0x3a: {  	[sflag:s16] =	ssyncset.done $0x0  }
0x3b: {  	[sflag:s16] =	ssyncadd.s32 $0xFFFFFFB0  }
0x3c: {  	[spmem:s3] =	stream.indirect.scatter.add.f32 [tilespmem:s2], [sflag:$0x1], $0x80, s17, s18, $0xb8;
	[tilespmem:$0x6850] =	vst v63  }
0x3d: {  	_ =	swait.ge [sflag:s15], $0x2800  }
0x3e: {  	[sflag:s15] =	ssyncset.done $0x0  }
0x3f: {  	[sflag:s15] =	ssyncadd.s32 $0xFFFFD800  }
0x40: {  	[tilespmem:s2], [sflag:$0x2] =	stream.linear.gather [hbm4b:s10+s2], $0x2800, $0x38;
	[tilespmem:$0x6850] =	vst v63  }
0x41: {  	_ =	swait.ge [sflag:s16], $0x2800  }
0x42: {  	[sflag:s16] =	ssyncset.done $0x0  }
0x43: {  	[sflag:s16] =	ssyncadd.s32 $0xFFFFD800  }
0x44: {  	[tilespmem:s17], [sflag:$0x2] =	stream.linear.gather [hbm4b:s11+s2], $0x50, $0x38;
	[tilespmem:$0x6850] =	vst v63  }
0x45: {  	_ =	swait.ge [sflag:s16], $0x50  }
0x46: {  	[sflag:s16] =	ssyncset.done $0x0  }
0x47: {  	[sflag:s16] =	ssyncadd.s32 $0xFFFFFFB0  }
0x48: {  	[spmem:s3] =	stream.indirect.scatter.add.f32 [tilespmem:s2], [sflag:$0x1], $0x80, s17, s18, $0xb8;
	[tilespmem:$0x6850] =	vst v63  }
0x49: {  	_ =	swait.ge [sflag:s15], $0x2800  }
0x4a: {  	[sflag:s15] =	ssyncset.done $0x0  }
0x4b: {  	s20 =	simm.s32 @!p0 $0x0;
	s21 =	simm.s32 @!p0 $0x2;
	[sflag:s15] =	ssyncadd.s32 $0xFFFFD800  }
0x4c: {  	[tilespmem:s20], [sflag:$0x2] =	stream.linear.gather @!p0 [hbm4b:s12+s20], $0x2800, $0x38;
	[tilespmem:$0x6850] =	vst v63  }
0x4d: {  	_ =	swait.ge @!p0 [sflag:s21], $0x2800  }
0x4e: {  	[sflag:s21] =	ssyncset.done @!p0 $0x0  }
0x4f: {  	s22 =	simm.s32 @!p0 $0x2800;
	[sflag:s21] =	ssyncadd.s32 @!p0 $0xFFFFD800  }
0x50: {  	[tilespmem:s22], [sflag:$0x2] =	stream.linear.gather @!p0 [hbm4b:s13+s20], $0x50, $0x38;
	[tilespmem:$0x6850] =	vst v63  }
0x51: {  	_ =	swait.ge @!p0 [sflag:s21], $0x50  }
0x52: {  	[sflag:s21] =	ssyncset.done @!p0 $0x0  }
0x53: {  	[sflag:s21] =	ssyncadd.s32 @!p0 $0xFFFFFFB0;
	s21 =	simm.s32 @!p0 $0x50  }
0x54: {  	[spmem:s3] =	stream.indirect.scatter.add.f32 @!p0 [tilespmem:s20], [sflag:$0x1], $0x80, s22, s21, $0xb8;
	[tilespmem:$0x6850] =	vst v63  }
0x55: {  	s20 =	simm.s32 @!p0 $0x1  }
0x56: {  	s29 =	sshll.u32 s1, $0x6;
	s19 =	sadd.s32 $0x1, s19;
	_ =	swait.ge @!p0 [sflag:s20], $0x2800  }
0x57: {  	s31 =	sshrl.u32 s3, $0x3;
	p1 =	sne.s32 s19, s5;
	[sflag:s20] =	ssyncset.done @!p0 $0x0  }
.Ltmp1:
0x58: {  	s30 =	sor.u32 $0x1C01, s29;
	[sflag:s20] =	ssyncadd.s32 @!p0 $0xFFFFD800;
	(pc) =	sbr.rel @p1 .LBB2_1-.Ltmp1, $4  }
0x59: {  	[hbm:s4], [sflag:s30] =	dma.local [spmem:s31], $0x400  }
0x5a: {  	_ =	swait.ge [sflag:s15], $0x400  }
0x5b: {  	[sflag:s15] =	ssyncset.done $0x0  }
0x5c: {  	[sflag:s15] =	ssyncadd.s32 $0xFFFFFC00  }
0x5d: {  	_ =	sfence.sel $0x180000  }
0x5e: {  	[bflag:$0x0] =	sbarrier.arrive $0xFFFF  }
0x5f: {  	p0 =	sne.s32 s1, $0x0;
	_ =	strace $0x90000047  }
0x60: {  	s0 =	sadd.s32 @!p0 $0x100000, s0;
	[bflag:$0x2] =	sbarrier.arrive $0xFFFF  }
0x61: {  	[sflag:s0] =	ssyncadd.tile.s32 @!p0 $0x1;
	_ =	shalt  }
.Lfunc_end2:
_tile_overlayer_lowered:
.L_overlay_start_2:
0x62: {  	(tag) =	ssettag $0x2  }
0x63: {  	s0 =	rddreg [dreg:$0x0];
	s2 =	stileid.u32  }
0x64: {  	s1 =	rddreg [dreg:$0x1];
	p0 =	sne.s32 s2, $0x0  }
0x65: {  	s3 =	rddreg [dreg:$0x2];
	[bflag:$0x3] =	sbarrier.arrive $0xFFFF;
	s2 =	simm.s32 @!p0 $0x1C01  }
0x66: {  	[timem:s3], [sflag:s2] =	dma.local @!p0 [hbm:s0], s1  }
0x67: {  	s0 =	simm.s32 @!p0 $0x1  }
0x68: {  	_ =	swait.ge @!p0 [sflag:s0], s1  }
0x69: {  	s1 =	ssub.s32 @!p0 $0x0, s1;
	[sflag:s0] =	ssyncset.done @!p0 $0x0  }
0x6a: {  	[sflag:s0] =	ssyncadd.s32 @!p0 s1  }
0x6b: {  	[bflag:$0x3] =	sbarrier.arrive $0xFFFF  }
0x6c: {  	_ =	shalt  }

</sc_bundles>
